<compile_context>
chip_gen: v7x
topology: tpu7x:2x2x1
jax: 0.10.2.dev20260603
libtpu: 0.0.44.dev20260713+nightly
codegen_flags: <defaults>
</compile_context>

<pallas_src>
import functools

import jax
import jax.numpy as jnp
from jax import lax
from jax.experimental import pallas as pl
from jax.experimental.pallas import tpu as pltpu
from jax.experimental.pallas import tpu_sc as plsc

B = 16384
N_TOK = 819200
VOCAB = 1000000
EMB = 64

NC = 2
NS = 16
L = 16
NW = NC * NS
TPW = N_TOK // NW
CH = 128
NCH = TPW // CH
HEAD = B
HEAD_ROWS = HEAD // CH
TAIL_COUNT = N_TOK - (B - 1)
FIRE = 8

MV_BLK = 32768
MV_GRID = (VOCAB + MV_BLK - 1) // MV_BLK


def _matvec_body(embt_ref, w_ref, out_ref):
    res = lax.dot_general(w_ref[...], embt_ref[...], (((1,), (0,)), ((), ())),
                          preferred_element_type=jnp.float32)
    out_ref[...] = res[0]


def _matvec(embt, lin_w):
    return pl.pallas_call(
        _matvec_body,
        grid=(MV_GRID,),
        in_specs=[
            pl.BlockSpec((EMB, MV_BLK), lambda i: (0, i)),
            pl.BlockSpec((1, EMB), lambda i: (0, 0)),
        ],
        out_specs=pl.BlockSpec((MV_BLK,), lambda i: (i,)),
        out_shape=jax.ShapeDtypeStruct((VOCAB,), jnp.float32),
    )(embt, lin_w)


_sc_mesh = plsc.VectorSubcoreMesh(core_axis_name="c", subcore_axis_name="s")


@functools.partial(
    pl.kernel,
    out_type=[
        jax.ShapeDtypeStruct((B,), jnp.float32),
        jax.ShapeDtypeStruct((NW, L), jnp.float32),
    ],
    mesh=_sc_mesh,
    scratch_types=[
        pltpu.VMEM((TPW,), jnp.int32),
        pltpu.VMEM((TPW,), jnp.float32),
        pltpu.VMEM((L,), jnp.float32),
        pltpu.SemaphoreType.DMA,
    ],
)
def _sc_gather(p_hbm, seqs_hbm, head_out, part_out, idx_v, g_v, acc_v, sem):
    c = lax.axis_index("c")
    s = lax.axis_index("s")
    wid = s * NC + c

    pltpu.sync_copy(seqs_hbm.at[pl.ds(wid * TPW, TPW)], idx_v)

    pltpu.async_copy(p_hbm.at[idx_v], g_v, sem).wait()

    def _row(r, acc):
        rs = g_v[pl.ds(r * CH, L)]
        for k in range(1, CH // L):
            rs = rs + g_v[pl.ds(r * CH + k * L, L)]
        keep = jnp.where(wid > 0, 1.0, jnp.where(r >= HEAD_ROWS, 1.0, 0.0))
        return acc + rs * keep

    acc = lax.fori_loop(0, NCH, _row, jnp.zeros((L,), jnp.float32))
    lane = lax.iota(jnp.int32, L)
    lane_mask = jnp.where(lane == L - 1, 1.0, 0.0)
    is_w0 = jnp.where(wid == 0, 1.0, 0.0)
    first_tail = g_v[pl.ds(HEAD - L, L)] * lane_mask * is_w0
    acc_v[...] = acc + first_tail
    pltpu.sync_copy(acc_v, part_out.at[wid])

    @pl.when(wid == 0)
    def _():
        pltpu.sync_copy(g_v.at[pl.ds(0, HEAD)], head_out)


def _finish_body(g_ref, part_ref, b_ref, out_ref):
    bias = b_ref[0]
    total = jnp.sum(part_ref[...])
    last = jax.nn.sigmoid(total * (1.0 / TAIL_COUNT) + bias)
    sig = jax.nn.sigmoid(g_ref[...] + bias)
    idx = lax.broadcasted_iota(jnp.int32, (B,), 0)
    out_ref[...] = jnp.where(idx == B - 1, last, sig)


def _finish(head, parts, lin_b):
    return pl.pallas_call(
        _finish_body,
        in_specs=[
            pl.BlockSpec((B,), lambda: (0,)),
            pl.BlockSpec((NW, L), lambda: (0, 0)),
            pl.BlockSpec(memory_space=pltpu.SMEM),
        ],
        out_specs=pl.BlockSpec((B,), lambda: (0,)),
        out_shape=jax.ShapeDtypeStruct((B,), jnp.float32),
    )(head, parts, lin_b)


def kernel(seqs, offsets, emb_table, lin_w, lin_b):
    del offsets
    seqs = seqs.astype(jnp.int32)
    p = _matvec(jnp.swapaxes(emb_table, 0, 1), lin_w)
    head, parts = _sc_gather(p, seqs)
    out = _finish(head, parts, lin_b)
    return out.reshape(B, 1)

# --- scband reference (transcript-rebuilt; emitter-appended) ---
"""Pipeline reference for scband-sequence-classification-model-32813550141785 (READ-ONLY COPY).

The authoritative reference and input builder live on the scoring server;
editing this copy changes nothing except your own understanding.
"""

import jax, jax.numpy as jnp
import numpy as np

B = 16384
N_TOK = 819200
VOCAB = 1000000
EMB = 64


def setup_inputs(seed: int = 0) -> dict:
    key = jax.random.key(seed)
    k1, k2, k3 = jax.random.split(key, 3)
    seqs = jax.random.randint(k1, (N_TOK,), 0, VOCAB)
    offsets = jnp.arange(B)
    # learned params: EmbeddingBag table, Linear weight/bias
    emb_table = jax.random.normal(k2, (VOCAB, EMB), jnp.float32) * 0.02
    lin_w = jax.random.normal(k3, (1, EMB), jnp.float32) * 0.1
    lin_b = jnp.zeros((1,), jnp.float32)
    return {"seqs": seqs, "offsets": offsets, "emb_table": emb_table, "lin_w": lin_w, "lin_b": lin_b}


def reference(seqs, offsets, emb_table, lin_w, lin_b):
    # nn.EmbeddingBag default mode='mean': bag i covers [offsets[i], offsets[i+1]),
    # last bag covers [offsets[-1], len(seqs)).
    n = seqs.shape[0]
    nbags = offsets.shape[0]
    pos = jnp.arange(n)
    seg = jnp.searchsorted(offsets, pos, side='right') - 1  # segment id per token
    gathered = jnp.take(emb_table, seqs, axis=0)            # [N_TOK, EMB] gather
    sums = jax.ops.segment_sum(gathered, seg, num_segments=nbags)
    counts = jax.ops.segment_sum(jnp.ones((n,), jnp.float32), seg, num_segments=nbags)
    means = sums / jnp.maximum(counts, 1.0)[:, None]        # mean pooling per bag
    out = means @ lin_w.T + lin_b                           # Linear(emb_dim, 1)
    return jax.nn.sigmoid(out)

if __name__ == "__main__":
    import jax
    _d = setup_inputs()
    print(jax.jit(kernel)(*tuple(_d.values())))

</pallas_src>

<mosaic_0001>
#map = affine_map<(d0, d1) -> (0)>
#map1 = affine_map<(d0, d1) -> (0, 0)>
module attributes {stable_mosaic.version = 14 : i64} {
  func.func @_sc_gather(%arg0: i32, %arg1: i32, %arg2: memref<1000000xf32, #tpu.memory_space<hbm>>, %arg3: memref<819200xi32, #tpu.memory_space<hbm>>, %arg4: memref<16384xf32, #tpu.memory_space<hbm>>, %arg5: memref<32x16xf32, #tpu.memory_space<hbm>>, %arg6: memref<25600xi32, #tpu.memory_space<vmem>>, %arg7: memref<25600xf32, #tpu.memory_space<vmem>>, %arg8: memref<16xf32, #tpu.memory_space<vmem>>, %arg9: memref<!tpu.dma_semaphore, #tpu.memory_space<semaphore_mem>>) attributes {dimension_semantics = [#tpu.dimension_semantics<core_parallel>, #tpu.dimension_semantics<subcore_parallel>], iteration_bounds = array<i64: 2, 16>, scalar_prefetch = 0 : i64, scratch_operands = 4 : i64, tpu.core_type = #tpu.core_type<sc_vector_subcore>, window_params = [{transform_indices = #map}, {transform_indices = #map}, {transform_indices = #map}, {transform_indices = #map1}]} {
    %mul3A = arith.constant 2 : i32
    %mul3A_0 = arith.muli %arg1, %mul3A : i32
    %add3A = arith.addi %mul3A_0, %arg0 : i32
    %mul3A_1 = arith.constant 25600 : i32
    %mul3A_2 = arith.muli %add3A, %mul3A_1 : i32
    "tpu.region"() ({
      %run_scoped3A = tpu.sem_alloc : memref<!tpu.dma_semaphore, #tpu.memory_space<semaphore_mem>>
      %dma_start3A_33 = tpu.memref_slice %arg3[%mul3A_2] : memref<819200xi32, #tpu.memory_space<hbm>> -> memref<25600xi32, #tpu.memory_space<hbm>>
      %dma_start3A_34 = tpu.memref_slice %arg3[%mul3A_2] : memref<819200xi32, #tpu.memory_space<hbm>> -> memref<25600xi32, #tpu.memory_space<hbm>>
      tpu.enqueue_dma source(%dma_start3A_34 : memref<25600xi32, #tpu.memory_space<hbm>>) target(%arg6 : memref<25600xi32, #tpu.memory_space<vmem>>) target_semaphore(%run_scoped3A : memref<!tpu.dma_semaphore, #tpu.memory_space<semaphore_mem>>)
      %dma_wait3A_35 = tpu.memref_slice %arg3[%mul3A_2] : memref<819200xi32, #tpu.memory_space<hbm>> -> memref<25600xi32, #tpu.memory_space<hbm>>
      %dma_wait3A_36 = tpu.memref_slice %arg3[%mul3A_2] : memref<819200xi32, #tpu.memory_space<hbm>> -> memref<25600xi32, #tpu.memory_space<hbm>>
      tpu.wait_dma2 semaphore(%run_scoped3A : memref<!tpu.dma_semaphore, #tpu.memory_space<semaphore_mem>>) src(%dma_wait3A_36 : memref<25600xi32, #tpu.memory_space<hbm>>) dst(%arg6 : memref<25600xi32, #tpu.memory_space<vmem>>)
      tpu.yield
    }) : () -> ()
    %dma_start3A = arith.constant 0 : i32
    %dma_start3A_3 = tpu.memref_slice %arg2[%dma_start3A] : memref<1000000xf32, #tpu.memory_space<hbm>> -> memref<1000000xf32, #tpu.memory_space<hbm>>
    tpu.enqueue_indirect_dma source(%dma_start3A_3 : memref<1000000xf32, #tpu.memory_space<hbm>>) target(%arg7 : memref<25600xf32, #tpu.memory_space<vmem>>) offsets(%arg6 : memref<25600xi32, #tpu.memory_space<vmem>>) semaphore(%arg9 : memref<!tpu.dma_semaphore, #tpu.memory_space<semaphore_mem>>)
    %dma_wait3A = arith.constant 0 : i32
    %dma_wait3A_4 = tpu.memref_slice %arg2[%dma_wait3A] : memref<1000000xf32, #tpu.memory_space<hbm>> -> memref<1000000xf32, #tpu.memory_space<hbm>>
    tpu.wait_indirect_dma semaphore(%arg9 : memref<!tpu.dma_semaphore, #tpu.memory_space<semaphore_mem>>) src(%dma_wait3A_4 : memref<1000000xf32, #tpu.memory_space<hbm>>) dst(%arg7 : memref<25600xf32, #tpu.memory_space<vmem>>)
    %broadcast_in_dim3A = arith.constant 0.000000e+00 : f32
    %broadcast_in_dim3A_5 = vector.broadcast %broadcast_in_dim3A : f32 to vector<16xf32>
    %scan3A = arith.constant 0 : i32
    %scan3A_6 = arith.constant 200 : i32
    %scan3A_7 = arith.addi %scan3A, %scan3A_6 : i32
    %scan3A_8 = arith.constant 1 : i32
    %scan3A_9 = scf.for %scan3A_33 = %scan3A to %scan3A_7 step %scan3A_8 iter_args(%scan3A_34 = %broadcast_in_dim3A_5) -> (vector<16xf32>)  : i32 {
      %mul3A_35 = arith.constant 128 : i32
      %mul3A_36 = arith.muli %scan3A_33, %mul3A_35 : i32
      %get3A_37 = arith.index_cast %mul3A_36 : i32 to index
      %get3A_38 = tpu.vector_load %arg7[%get3A_37] {strides = array<i32>} : memref<25600xf32, #tpu.memory_space<vmem>>, vector<16xf32>,
      %get3A_39 = vector.shape_cast %get3A_38 : vector<16xf32> to vector<16xf32>
      %mul3A_40 = arith.constant 128 : i32
      %mul3A_41 = arith.muli %scan3A_33, %mul3A_40 : i32
      %add3A_42 = arith.constant 16 : i32
      %add3A_43 = arith.addi %mul3A_41, %add3A_42 : i32
      %get3A_44 = arith.index_cast %add3A_43 : i32 to index
      %get3A_45 = tpu.vector_load %arg7[%get3A_44] {strides = array<i32>} : memref<25600xf32, #tpu.memory_space<vmem>>, vector<16xf32>,
      %get3A_46 = vector.shape_cast %get3A_45 : vector<16xf32> to vector<16xf32>
      %add3A_47 = arith.addf %get3A_39, %get3A_46 : vector<16xf32>
      %mul3A_48 = arith.constant 128 : i32
      %mul3A_49 = arith.muli %scan3A_33, %mul3A_48 : i32
      %add3A_50 = arith.constant 32 : i32
      %add3A_51 = arith.addi %mul3A_49, %add3A_50 : i32
      %get3A_52 = arith.index_cast %add3A_51 : i32 to index
      %get3A_53 = tpu.vector_load %arg7[%get3A_52] {strides = array<i32>} : memref<25600xf32, #tpu.memory_space<vmem>>, vector<16xf32>,
      %get3A_54 = vector.shape_cast %get3A_53 : vector<16xf32> to vector<16xf32>
      %add3A_55 = arith.addf %add3A_47, %get3A_54 : vector<16xf32>
      %mul3A_56 = arith.constant 128 : i32
      %mul3A_57 = arith.muli %scan3A_33, %mul3A_56 : i32
      %add3A_58 = arith.constant 48 : i32
      %add3A_59 = arith.addi %mul3A_57, %add3A_58 : i32
      %get3A_60 = arith.index_cast %add3A_59 : i32 to index
      %get3A_61 = tpu.vector_load %arg7[%get3A_60] {strides = array<i32>} : memref<25600xf32, #tpu.memory_space<vmem>>, vector<16xf32>,
      %get3A_62 = vector.shape_cast %get3A_61 : vector<16xf32> to vector<16xf32>
      %add3A_63 = arith.addf %add3A_55, %get3A_62 : vector<16xf32>
      %mul3A_64 = arith.constant 128 : i32
      %mul3A_65 = arith.muli %scan3A_33, %mul3A_64 : i32
      %add3A_66 = arith.constant 64 : i32
      %add3A_67 = arith.addi %mul3A_65, %add3A_66 : i32
      %get3A_68 = arith.index_cast %add3A_67 : i32 to index
      %get3A_69 = tpu.vector_load %arg7[%get3A_68] {strides = array<i32>} : memref<25600xf32, #tpu.memory_space<vmem>>, vector<16xf32>,
      %get3A_70 = vector.shape_cast %get3A_69 : vector<16xf32> to vector<16xf32>
      %add3A_71 = arith.addf %add3A_63, %get3A_70 : vector<16xf32>
      %mul3A_72 = arith.constant 128 : i32
      %mul3A_73 = arith.muli %scan3A_33, %mul3A_72 : i32
      %add3A_74 = arith.constant 80 : i32
      %add3A_75 = arith.addi %mul3A_73, %add3A_74 : i32
      %get3A_76 = arith.index_cast %add3A_75 : i32 to index
      %get3A_77 = tpu.vector_load %arg7[%get3A_76] {strides = array<i32>} : memref<25600xf32, #tpu.memory_space<vmem>>, vector<16xf32>,
      %get3A_78 = vector.shape_cast %get3A_77 : vector<16xf32> to vector<16xf32>
      %add3A_79 = arith.addf %add3A_71, %get3A_78 : vector<16xf32>
      %mul3A_80 = arith.constant 128 : i32
      %mul3A_81 = arith.muli %scan3A_33, %mul3A_80 : i32
      %add3A_82 = arith.constant 96 : i32
      %add3A_83 = arith.addi %mul3A_81, %add3A_82 : i32
      %get3A_84 = arith.index_cast %add3A_83 : i32 to index
      %get3A_85 = tpu.vector_load %arg7[%get3A_84] {strides = array<i32>} : memref<25600xf32, #tpu.memory_space<vmem>>, vector<16xf32>,
      %get3A_86 = vector.shape_cast %get3A_85 : vector<16xf32> to vector<16xf32>
      %add3A_87 = arith.addf %add3A_79, %get3A_86 : vector<16xf32>
      %mul3A_88 = arith.constant 128 : i32
      %mul3A_89 = arith.muli %scan3A_33, %mul3A_88 : i32
      %add3A_90 = arith.constant 112 : i32
      %add3A_91 = arith.addi %mul3A_89, %add3A_90 : i32
      %get3A_92 = arith.index_cast %add3A_91 : i32 to index
      %get3A_93 = tpu.vector_load %arg7[%get3A_92] {strides = array<i32>} : memref<25600xf32, #tpu.memory_space<vmem>>, vector<16xf32>,
      %get3A_94 = vector.shape_cast %get3A_93 : vector<16xf32> to vector<16xf32>
      %add3A_95 = arith.addf %add3A_87, %get3A_94 : vector<16xf32>
      %gt3A = arith.constant 0 : i32
      %gt3A_96 = arith.cmpi sgt, %add3A, %gt3A : i32
      %ge3A = arith.constant 128 : i32
      %ge3A_97 = arith.cmpi sge, %scan3A_33, %ge3A : i32
      %jit3A_98 = arith.constant 1.000000e+00 : f32
      %jit3A_99 = arith.constant 0.000000e+00 : f32
      %select_n3A_100 = arith.select %ge3A_97, %jit3A_98, %jit3A_99 : f32
      %jit3A_101 = arith.constant 1.000000e+00 : f32
      %select_n3A_102 = arith.select %gt3A_96, %jit3A_101, %select_n3A_100 : f32
      %mul3A_103 = vector.broadcast %select_n3A_102 : f32 to vector<16xf32>
      %mul3A_104 = arith.mulf %add3A_95, %mul3A_103 : vector<16xf32>
      %add3A_105 = arith.addf %scan3A_34, %mul3A_104 : vector<16xf32>
      scf.yield %add3A_105 : vector<16xf32>
    }
    %scan3A_10 = arith.constant 200 : i32
    %iota3A = tpu.iota {dimensions = array<i32: 0>} : vector<16xi32>
    %eq3A = arith.constant 15 : i32
    %eq3A_11 = vector.broadcast %eq3A : i32 to vector<16xi32>
    %eq3A_12 = arith.cmpi eq, %iota3A, %eq3A_11 : vector<16xi32>
    %jit3A = arith.constant 1.000000e+00 : f32
    %jit3A_13 = arith.constant 0.000000e+00 : f32
    %broadcast_in_dim3A_14 = vector.broadcast %jit3A : f32 to vector<16xf32>
    %broadcast_in_dim3A_15 = vector.broadcast %jit3A_13 : f32 to vector<16xf32>
    %select_n3A = arith.select %eq3A_12, %broadcast_in_dim3A_14, %broadcast_in_dim3A_15 : vector<16xi1>, vector<16xf32>
    %eq3A_16 = arith.constant 0 : i32
    %eq3A_17 = arith.cmpi eq, %add3A, %eq3A_16 : i32
    %jit3A_18 = arith.constant 1.000000e+00 : f32
    %jit3A_19 = arith.constant 0.000000e+00 : f32
    %select_n3A_20 = arith.select %eq3A_17, %jit3A_18, %jit3A_19 : f32
    %get3A = arith.constant 16368 : index
    %get3A_21 = tpu.vector_load %arg7[%get3A] {strides = array<i32>} : memref<25600xf32, #tpu.memory_space<vmem>>, vector<16xf32>,
    %get3A_22 = vector.shape_cast %get3A_21 : vector<16xf32> to vector<16xf32>
    %mul3A_23 = arith.mulf %get3A_22, %select_n3A : vector<16xf32>
    %mul3A_24 = vector.broadcast %select_n3A_20 : f32 to vector<16xf32>
    %mul3A_25 = arith.mulf %mul3A_23, %mul3A_24 : vector<16xf32>
    %add3A_26 = arith.addf %scan3A_9, %mul3A_25 : vector<16xf32>
    %swap3A = arith.constant 0 : index
    %swap3A_27 = tpu.vector_load %arg8[%swap3A] {strides = array<i32>} : memref<16xf32, #tpu.memory_space<vmem>>, vector<16xf32>,
    %swap3A_28 = vector.shape_cast %swap3A_27 : vector<16xf32> to vector<16xf32>
    %swap3A_29 = vector.shape_cast %add3A_26 : vector<16xf32> to vector<16xf32>
    tpu.vector_store %arg8[%swap3A], %swap3A_29 {strides = array<i32>} : memref<16xf32, #tpu.memory_space<vmem>>, vector<16xf32>,
    "tpu.region"() ({
      %run_scoped3A = tpu.sem_alloc : memref<!tpu.dma_semaphore, #tpu.memory_space<semaphore_mem>>
      %dma_start3A_33 = arith.constant 0 : i32
      %dma_start3A_34 = tpu.memref_slice %arg5[%add3A, %dma_start3A_33] : memref<32x16xf32, #tpu.memory_space<hbm>> -> memref<1x16xf32, #tpu.memory_space<hbm>>
      %dma_start3A_35 = tpu.memref_squeeze %dma_start3A_34 : memref<1x16xf32, #tpu.memory_space<hbm>> -> memref<16xf32, #tpu.memory_space<hbm>>
      %dma_start3A_36 = arith.constant 0 : i32
      %dma_start3A_37 = tpu.memref_slice %arg5[%add3A, %dma_start3A_36] : memref<32x16xf32, #tpu.memory_space<hbm>> -> memref<1x16xf32, #tpu.memory_space<hbm>>
      %dma_start3A_38 = tpu.memref_squeeze %dma_start3A_37 : memref<1x16xf32, #tpu.memory_space<hbm>> -> memref<16xf32, #tpu.memory_space<hbm>>
      tpu.enqueue_dma source(%arg8 : memref<16xf32, #tpu.memory_space<vmem>>) target(%dma_start3A_38 : memref<16xf32, #tpu.memory_space<hbm>>) target_semaphore(%run_scoped3A : memref<!tpu.dma_semaphore, #tpu.memory_space<semaphore_mem>>)
      %dma_wait3A_39 = arith.constant 0 : i32
      %dma_wait3A_40 = tpu.memref_slice %arg5[%add3A, %dma_wait3A_39] : memref<32x16xf32, #tpu.memory_space<hbm>> -> memref<1x16xf32, #tpu.memory_space<hbm>>
      %dma_wait3A_41 = tpu.memref_squeeze %dma_wait3A_40 : memref<1x16xf32, #tpu.memory_space<hbm>> -> memref<16xf32, #tpu.memory_space<hbm>>
      %dma_wait3A_42 = arith.constant 0 : i32
      %dma_wait3A_43 = tpu.memref_slice %arg5[%add3A, %dma_wait3A_42] : memref<32x16xf32, #tpu.memory_space<hbm>> -> memref<1x16xf32, #tpu.memory_space<hbm>>
      %dma_wait3A_44 = tpu.memref_squeeze %dma_wait3A_43 : memref<1x16xf32, #tpu.memory_space<hbm>> -> memref<16xf32, #tpu.memory_space<hbm>>
      tpu.wait_dma2 semaphore(%run_scoped3A : memref<!tpu.dma_semaphore, #tpu.memory_space<semaphore_mem>>) src(%arg8 : memref<16xf32, #tpu.memory_space<vmem>>) dst(%dma_wait3A_44 : memref<16xf32, #tpu.memory_space<hbm>>)
      tpu.yield
    }) : () -> ()
    %eq3A_30 = arith.constant 0 : i32
    %eq3A_31 = arith.cmpi eq, %add3A, %eq3A_30 : i32
    %convert_element_type3A = arith.extui %eq3A_31 : i1 to i32
    %cond3A = arith.constant 0 : i32
    %cond3A_32 = arith.cmpi ne, %convert_element_type3A, %cond3A : i32
    scf.if %cond3A_32 {
      "tpu.region"() ({
        %run_scoped3A = tpu.sem_alloc : memref<!tpu.dma_semaphore, #tpu.memory_space<semaphore_mem>>
        %dma_start3A_33 = arith.constant 0 : i32
        %dma_start3A_34 = tpu.memref_slice %arg7[%dma_start3A_33] : memref<25600xf32, #tpu.memory_space<vmem>> -> memref<16384xf32, #tpu.memory_space<vmem>>
        %dma_start3A_35 = arith.constant 0 : i32
        %dma_start3A_36 = tpu.memref_slice %arg7[%dma_start3A_35] : memref<25600xf32, #tpu.memory_space<vmem>> -> memref<16384xf32, #tpu.memory_space<vmem>>
        tpu.enqueue_dma source(%dma_start3A_36 : memref<16384xf32, #tpu.memory_space<vmem>>) target(%arg4 : memref<16384xf32, #tpu.memory_space<hbm>>) target_semaphore(%run_scoped3A : memref<!tpu.dma_semaphore, #tpu.memory_space<semaphore_mem>>)
        %dma_wait3A_37 = arith.constant 0 : i32
        %dma_wait3A_38 = tpu.memref_slice %arg7[%dma_wait3A_37] : memref<25600xf32, #tpu.memory_space<vmem>> -> memref<16384xf32, #tpu.memory_space<vmem>>
        %dma_wait3A_39 = arith.constant 0 : i32
        %dma_wait3A_40 = tpu.memref_slice %arg7[%dma_wait3A_39] : memref<25600xf32, #tpu.memory_space<vmem>> -> memref<16384xf32, #tpu.memory_space<vmem>>
        tpu.wait_dma2 semaphore(%run_scoped3A : memref<!tpu.dma_semaphore, #tpu.memory_space<semaphore_mem>>) src(%dma_wait3A_40 : memref<16384xf32, #tpu.memory_space<vmem>>) dst(%arg4 : memref<16384xf32, #tpu.memory_space<hbm>>)
        tpu.yield
      }) : () -> ()
    } else {
    }
    return
  }
}

module attributes {stable_mosaic.version = 14 : i64} {
  func.func @_matvec_body(%arg0: i32, %arg1: memref<64x32768xf32, #tpu.memory_space<vmem>>, %arg2: memref<1x64xf32, #tpu.memory_space<vmem>>, %arg3: memref<32768xf32, #tpu.memory_space<vmem>>) attributes {dimension_semantics = [#tpu.dimension_semantics<arbitrary>], iteration_bounds = array<i64: 31>, scalar_prefetch = 0 : i64, scratch_operands = 0 : i64, tpu.core_type = #tpu.core_type<tc>, window_params = [{transform_indices = @transform_0, window_bounds = array<i64: 64, 32768>}, {pipeline_mode = #tpu.pipeline_mode<synchronous>, transform_indices = @transform_1, window_bounds = array<i64: 1, 64>}, {transform_indices = @transform_2, window_bounds = array<i64: 32768>}]} {
    %get3A = arith.constant 0 : index
    %get3A_0 = arith.constant 0 : index
    %get3A_1 = vector.load %arg2[%get3A, %get3A_0] : memref<1x64xf32, #tpu.memory_space<vmem>>, vector<1x64xf32>
    %get3A_2 = arith.constant 0 : index
    %get3A_3 = arith.constant 0 : index
    %get3A_4 = vector.load %arg1[%get3A_2, %get3A_3] : memref<64x32768xf32, #tpu.memory_space<vmem>>, vector<64x32768xf32>
    %dot_general3A = arith.constant dense<0.000000e+00> : vector<1x32768xf32>
    %dot_general3A_5 = tpu.matmul %get3A_1, %get3A_4, %dot_general3A {dimension_numbers = #tpu.dot_dimension_numbers<[1], [0], [0], [1], [0, 0, 1, 1], [], []>, transpose_lhs_hint = false} : vector<1x64xf32>, vector<64x32768xf32>, vector<1x32768xf32> -> vector<1x32768xf32>
    %squeeze3A = vector.shape_cast %dot_general3A_5 : vector<1x32768xf32> to vector<32768xf32>
    %swap3A = arith.constant 0 : index
    %swap3A_6 = vector.load %arg3[%swap3A] : memref<32768xf32, #tpu.memory_space<vmem>>, vector<32768xf32>
    tpu.vector_store %arg3[%swap3A], %squeeze3A {strides = array<i32>} : memref<32768xf32, #tpu.memory_space<vmem>>, vector<32768xf32>,
    return
  }
  func.func @transform_0(%arg0: i32) -> (i32, i32) {
    %c0_i32 = arith.constant 0 : i32
    %c0_i32_0 = arith.constant 0 : i32
    return %c0_i32, %arg0 : i32, i32
  }
  func.func @transform_1(%arg0: i32) -> (i32, i32) {
    %c0_i32 = arith.constant 0 : i32
    %c0_i32_0 = arith.constant 0 : i32
    %c0_i32_1 = arith.constant 0 : i32
    return %c0_i32, %c0_i32_0 : i32, i32
  }
  func.func @transform_2(%arg0: i32) -> i32 {
    %c0_i32 = arith.constant 0 : i32
    return %arg0 : i32
  }
}

module attributes {stable_mosaic.version = 14 : i64} {
  func.func @_finish_body(%arg0: memref<16384xf32, #tpu.memory_space<vmem>>, %arg1: memref<32x16xf32, #tpu.memory_space<vmem>>, %arg2: memref<1xf32, #tpu.memory_space<smem>>, %arg3: memref<16384xf32, #tpu.memory_space<vmem>>) attributes {dimension_semantics = [], scalar_prefetch = 0 : i64, scratch_operands = 0 : i64, tpu.core_type = #tpu.core_type<tc>} {
    %get3A = arith.constant 0 : index
    %get3A_0 = memref.load %arg2[%get3A] : memref<1xf32, #tpu.memory_space<smem>>
    %get3A_1 = arith.constant 0 : index
    %get3A_2 = arith.constant 0 : index
    %get3A_3 = vector.load %arg1[%get3A_1, %get3A_2] : memref<32x16xf32, #tpu.memory_space<vmem>>, vector<32x16xf32>
    %reduce_sum3A = vector.shape_cast %get3A_3 : vector<32x16xf32> to vector<1x32x16xf32>
    %reduce_sum3A_4 = arith.constant dense<0.000000e+00> : vector<1xf32>
    %reduce_sum3A_5 = vector.multi_reduction <add>, %reduce_sum3A, %reduce_sum3A_4 [1, 2] : vector<1x32x16xf32> to vector<1xf32>
    %reduce_sum3A_6 = vector.shape_cast %reduce_sum3A_5 : vector<1xf32> to vector<1x1x1xf32>
    %reduce_sum3A_7 = vector.extract %reduce_sum3A_6[0, 0, 0] : f32 from vector<1x1x1xf32>
    %mul3A = arith.constant 1.24561393E-6 : f32
    %mul3A_8 = arith.mulf %reduce_sum3A_7, %mul3A : f32
    %add3A = arith.addf %mul3A_8, %get3A_0 : f32
    %logistic3A = arith.negf %add3A : f32
    %logistic3A_9 = math.exp %logistic3A : f32
    %logistic3A_10 = arith.constant 1.000000e+00 : f32
    %logistic3A_11 = arith.addf %logistic3A_10, %logistic3A_9 : f32
    %logistic3A_12 = arith.divf %logistic3A_10, %logistic3A_11 : f32
    %get3A_13 = arith.constant 0 : index
    %get3A_14 = vector.load %arg0[%get3A_13] : memref<16384xf32, #tpu.memory_space<vmem>>, vector<16384xf32>
    %add3A_15 = vector.broadcast %get3A_0 : f32 to vector<16384xf32>
    %add3A_16 = arith.addf %get3A_14, %add3A_15 : vector<16384xf32>
    %logistic3A_17 = arith.negf %add3A_16 : vector<16384xf32>
    %logistic3A_18 = math.exp %logistic3A_17 : vector<16384xf32>
    %logistic3A_19 = arith.constant 1.000000e+00 : f32
    %logistic3A_20 = vector.broadcast %logistic3A_19 : f32 to vector<16384xf32>
    %logistic3A_21 = arith.addf %logistic3A_20, %logistic3A_18 : vector<16384xf32>
    %logistic3A_22 = arith.divf %logistic3A_20, %logistic3A_21 : vector<16384xf32>
    %iota3A = tpu.iota {dimensions = array<i32: 1>} : vector<1x16384xi32>
    %iota3A_23 = vector.shape_cast %iota3A : vector<1x16384xi32> to vector<16384xi32>
    %eq3A = arith.constant 16383 : i32
    %eq3A_24 = vector.broadcast %eq3A : i32 to vector<16384xi32>
    %eq3A_25 = arith.cmpi eq, %iota3A_23, %eq3A_24 : vector<16384xi32>
    %broadcast_in_dim3A = vector.broadcast %logistic3A_12 : f32 to vector<16384xf32>
    %select_n3A = arith.select %eq3A_25, %broadcast_in_dim3A, %logistic3A_22 : vector<16384xi1>, vector<16384xf32>
    %swap3A = arith.constant 0 : index
    %swap3A_26 = vector.load %arg3[%swap3A] : memref<16384xf32, #tpu.memory_space<vmem>>, vector<16384xf32>
    tpu.vector_store %arg3[%swap3A], %select_n3A {strides = array<i32>} : memref<16384xf32, #tpu.memory_space<vmem>>, vector<16384xf32>,
    return
  }
}

</mosaic_0001>

<sc_bundles>
// kernel: kernel.5.cloned.1.call-start
scs
__scs_entry_jumppad:
0x0: {  	(pc) =	sbr.rel $0x88, $3  }
0x1: {  	(tag) =	ssettag $0x0;
	lr =	simm.s32 $0x1  }
0x2: {  	[smem:$0x3F9D] =	sst lr;
	_ =	strace $0xD0000000  }
0x3: {  	_ = 	snop  }
0x4: {  	_ = 	snop  }
0x5: {  	_ = 	snop  }
0x6: {  	_ = 	snop  }
0x7: {  	_ = 	snop  }
__scs_overlays_trampoline_lowered:
0x8: {  	[smem:$0x3FAC] =	sst s0  }
0x9: {  	[smem:$0x3FAD] =	sst s1  }
0xa: {  	[smem:$0x3FAE] =	sst s2  }
0xb: {  	[smem:$0x3FAF] =	sst s3  }
0xc: {  	[smem:$0x3FB0] =	sst s4  }
0xd: {  	[smem:$0x3FB1] =	sst s5  }
0xe: {  	[smem:$0x3FB2] =	sst s6  }
0xf: {  	[smem:$0x3FB3] =	sst s7  }
0x10: {  	[smem:$0x3FB4] =	sst s8  }
0x11: {  	[smem:$0x3FB5] =	sst s9;
	s0 =	simm.s32 @!p0 $0x0  }
0x12: {  	s1 =	sld [smem:$0x3F9B];
	s0 =	simm.s32 @p0 $0x1  }
0x13: {  	[smem:$0x3FB6] =	sst s0;
	s0 =	simm.s32 @!p1 $0x0  }
0x14: {  	s2 =	sld [smem:$0x3F9A];
	s0 =	simm.s32 @p1 $0x1  }
0x15: {  	[smem:$0x3FB7] =	sst s0;
	s0 =	simm.s32 @!p2 $0x0  }
0x16: {  	s3 =	sld [smem:$0x3FDB];
	s0 =	simm.s32 @p2 $0x1  }
0x17: {  	s4 =	simm.s32 $0x1BF5;
	[smem:$0x3FB9] =	sst s0  }
0x18: {  	s0 =	sld [smem:$0x3F9C];
	_ =	swait.ge [sflag:s4], $0x0  }
0x19: {  	s7 =	sld [smem:$0x3F9D]  }
0x1a: {  	s8 =	sadd.s32 $0xFFFFE003, lr  }
0x1b: {  	s9 =	sadd.s32 $0xFFFFFEF7, lr;
	s5 =	simm.s32 $0xFFFFFFFF;
	p2 =	slt.u32 s8, $0xFFFFF086  }
0x1c: {  	p1 =	slt.u32 s9, $0xF7A;
	s5 =	simm.s32 @!p2 $0x0  }
0x1d: {  	s5 =	simm.s32 @p1 $0x1;
	p0 =	seq.s32 s7, s2  }
0x1e: {  	s7 =	smul.u32 @!p0 $0xF7A, s2;
	p2 =	seq.s32 @!p0 s5, $0x0  }
0x1f: {  	s9 =	smul.u32 $0xF7A, s1;
	s8 =	simm.s32 @!p0 $0x1BF5;
	p2 =	por !p2, p0  }
0x20: {  	[sflag:s8] =	ssyncset.s32 @!p0 $0xFFFFF086;
	s6 =	sadd.s32 @!p0 s3, s7;
	s7 =	simm.s32 @!p0 $0x108  }
0x21: {  	s3 =	sadd.s32 s3, s9;
	s6 =	sadd.s32 @!p0 $0x88, s6;
	s7 =	simm.s32 @p2 $0x1082  }
0x22: {  	[simem:s7], [sflag:s8] =	dma.local @!p0 [hbm:s6], $0xF7A  }
0x23: {  	s9 =	sor.u32 $0xD0000000, s2;
	s6 =	simm.s32 $0x108;
	_ =	swait.ge @!p0 [sflag:s8], $0x0  }
0x24: {  	s3 =	sadd.s32 $0x88, s3;
	s6 =	simm.s32 @!p1 $0x1082;
	[sflag:s4] =	ssyncset.s32 $0xFFFFF086  }
0x25: {  	[simem:s6], [sflag:s4] =	dma.local [hbm:s3], $0xF7A  }
0x26: {  	[smem:$0x3F9D] =	sst s1;
	(tag) =	ssettag s2;
	_ =	strace s9  }
0x27: {  	s1 =	sld [smem:$0x3FAD]  }
0x28: {  	s2 =	sld [smem:$0x3FAE]  }
0x29: {  	s4 =	sld [smem:$0x3FB0]  }
0x2a: {  	p0 =	seq.s32 s5, $0x0;
	s5 =	sld [smem:$0x3FB1]  }
0x2b: {  	s6 =	sld [smem:$0x3FB2]  }
0x2c: {  	s7 =	sld [smem:$0x3FB3]  }
0x2d: {  	s3 =	simm.s32 $0x108;
	s8 =	sld [smem:$0x3FB4]  }
0x2e: {  	s3 =	simm.s32 @!p0 $0x1082;
	s9 =	sld [smem:$0x3FB5]  }
0x2f: {  	lr =	sadd.s32 s0, s3;
	s0 =	sld [smem:$0x3FAC]  }
0x30: {  	s3 =	sld [smem:$0x3FAF]  }
0x31: {  	[smem:$0x3FB8] =	sst s10  }
0x32: {  	s10 =	sld [smem:$0x3FB6];
	_ =	sdelay $0x3  }
0x33: {  	p0 =	seq.s32 s10, $0x1;
	s10 =	sld [smem:$0x3FB8];
	_ =	sdelay $0x3  }
0x34: {  	[smem:$0x3FB8] =	sst s10  }
0x35: {  	s10 =	sld [smem:$0x3FB7];
	_ =	sdelay $0x3  }
0x36: {  	p1 =	seq.s32 s10, $0x1;
	s10 =	sld [smem:$0x3FB8];
	_ =	sdelay $0x3  }
0x37: {  	[smem:$0x3FB8] =	sst s10  }
0x38: {  	s10 =	sld [smem:$0x3FB9]  }
0x39: {  	_ = 	snop;
	(pc) =	sbr.ind lr, $3  }
0x3a: {  	_ = 	snop  }
0x3b: {  	_ = 	snop  }
0x3c: {  	p2 =	seq.s32 s10, $0x1;
	s10 =	sld [smem:$0x3FB8]  }
0x3d: {  	_ =	shalt  }
0x3e: {  	_ =	shalt  }
0x3f: {  	_ =	shalt  }
0x40: {  	_ =	shalt  }
0x41: {  	_ =	shalt  }
0x42: {  	_ =	shalt  }
0x43: {  	_ =	shalt  }
0x44: {  	_ =	shalt  }
0x45: {  	_ =	shalt  }
0x46: {  	_ =	shalt  }
0x47: {  	_ =	shalt  }
0x48: {  	_ =	shalt  }
0x49: {  	_ =	shalt  }
0x4a: {  	_ =	shalt  }
0x4b: {  	_ =	shalt  }
0x4c: {  	_ =	shalt  }
0x4d: {  	_ =	shalt  }
0x4e: {  	_ =	shalt  }
0x4f: {  	_ =	shalt  }
0x50: {  	_ =	shalt  }
0x51: {  	_ =	shalt  }
0x52: {  	_ =	shalt  }
0x53: {  	_ =	shalt  }
0x54: {  	_ =	shalt  }
0x55: {  	_ =	shalt  }
0x56: {  	_ =	shalt  }
0x57: {  	_ =	shalt  }
0x58: {  	_ =	shalt  }
0x59: {  	_ =	shalt  }
0x5a: {  	_ =	shalt  }
0x5b: {  	_ =	shalt  }
0x5c: {  	_ =	shalt  }
0x5d: {  	_ =	shalt  }
0x5e: {  	_ =	shalt  }
0x5f: {  	_ =	shalt  }
0x60: {  	_ =	shalt  }
0x61: {  	_ =	shalt  }
0x62: {  	_ =	shalt  }
0x63: {  	_ =	shalt  }
0x64: {  	_ =	shalt  }
0x65: {  	_ =	shalt  }
0x66: {  	_ =	shalt  }
0x67: {  	_ =	shalt  }
0x68: {  	_ =	shalt  }
0x69: {  	_ =	shalt  }
0x6a: {  	_ =	shalt  }
0x6b: {  	_ =	shalt  }
0x6c: {  	_ =	shalt  }
0x6d: {  	_ =	shalt  }
0x6e: {  	_ =	shalt  }
0x6f: {  	_ =	shalt  }
0x70: {  	_ =	shalt  }
0x71: {  	_ =	shalt  }
0x72: {  	_ =	shalt  }
0x73: {  	_ =	shalt  }
0x74: {  	_ =	shalt  }
0x75: {  	_ =	shalt  }
0x76: {  	_ =	shalt  }
0x77: {  	_ =	shalt  }
0x78: {  	_ =	shalt  }
0x79: {  	_ =	shalt  }
0x7a: {  	_ =	shalt  }
0x7b: {  	_ =	shalt  }
0x7c: {  	_ =	shalt  }
0x7d: {  	_ =	shalt  }
0x7e: {  	_ =	shalt  }
0x7f: {  	_ =	shalt  }
0x80: {  	_ =	shalt  }
0x81: {  	_ =	shalt  }
0x82: {  	_ =	shalt  }
0x83: {  	_ =	shalt  }
0x84: {  	_ =	shalt  }
0x85: {  	_ =	shalt  }
0x86: {  	_ =	shalt  }
0x87: {  	_ =	shalt  }
.Lfunc_end0:
.L_simem_size_0:
called_computation_lowered:
.L_overlay_start_0:
0x88: {  	s2 =	sld [smem:$0x3FD9]  }
0x89: {  	s3 =	sld [smem:$0x3FFE];
	_ =	sdelay $0x1  }
0x8a: {  	s1 =	srdreg.scid  }
0x8b: {  	s0 =	sand.u32 $0x1, s1  }
0x8c: {  	s17 =	sshll.u32 s0, $0xA;
	s2 =	sadd.s32 s3, s2  }
0x8d: {  	s2 =	sadd.s32 s2, s17  }
0x8e: {  	[smem:$0x3FC4] =	sst s2  }
0x8f: {  	_ = 	snop  }
0x90: {  	s2 =	sld [smem:$0x3FC9]  }
0x91: {  	s18 =	sld [smem:$0x3FD0];
	(tm) =	ssettm $0x1  }
0x92: {  	s4 =	sld [smem:$0x3FFB];
	_ =	sdelay $0x3  }
0x93: {  	_ =	strace s4  }
0x94: {  	s4 =	sld [smem:$0x3FFC];
	_ =	sdelay $0x3  }
0x95: {  	_ =	strace s4  }
0x96: {  	s4 =	sld [smem:$0x3FFD];
	_ =	sdelay $0x3  }
0x97: {  	_ =	strace s4  }
0x98: {  	_ =	strace $0x8FFFFFFF  }
0x99: {  	s19 =	sld [smem:$0x3FDB];
	_ =	sdelay $0x1  }
0x9a: {  	s5 =	simm.s32 $_scs_section_size  }
0x9b: {  	s6 =	simm.s32 $_size__tile_overlayer_lowered;
	s7 =	simm.s32 $_tile_overlayer_lowered  }
0x9c: {  	s22 =	simm.s32 $0x1BFF;
	s21 =	sshll.u32 s7, $0x1;
	s4 =	sadd.s32 s5, s19  }
0x9d: {  	s8 =	simm.s32 $0x0;
	s20 =	sshll.u32 s6, $0x1;
	s6 =	sadd.s32 s21, s4  }
0x9e: {  	[timem:s8], [sflag:s22] =	dma.local [hbm:s6], s20  }
0x9f: {  	_ =	swait.ge [sflag:s22], s20  }
0xa0: {  	s5 =	ssub.s32 $0x0, s20;
	[sflag:s22] =	ssyncset.done $0x0  }
0xa1: {  	[sflag:s22] =	ssyncadd.s32 s5;
	_ =	sdelay $0x1  }
0xa2: {  	s23 =	simm.s32 $0x1B8B  }
0xa3: {  	_ =	swait.ge [sflag:s23], $0x1  }
0xa4: {  	[sflag:s23] =	ssyncset.done $0x0  }
0xa5: {  	s25 =	simm.s32 $0x1B8E;
	s24 =	sld [smem:$0x3FFE];
	[sflag:s23] =	ssyncadd.s32 $0xFFFFFFFF  }
0xa6: {  	s26 =	simm.s32 $execute0_lowered;
	[smem:$0x3FD2] =	sst s25  }
0xa7: {  	s6 =	sshll.u32 s26, $0x1;
	_ =	strace $0x80000046;
	[dreg:$0x1] =	wrdreg $0xFFFFFFFF  }
0xa8: {  	s28 =	simm.s32 $_size_execute0_lowered;
	s4 =	sadd.s32 s4, s6;
	[dreg:$0x0] =	wrdreg $0x0  }
0xa9: {  	s6 =	sshll.u32 s28, $0x1;
	[dreg:$0x2] =	wrdreg s4  }
0xaa: {  	[dreg:$0x3] =	wrdreg s6  }
0xab: {  	[dreg:$0x4] =	wrdreg $0xC0  }
0xac: {  	_ =	task [dreg:s8], $0x5FFFF  }
0xad: {  	[dreg:$0x1] =	wrdreg $0xFFFFFFFF  }
0xae: {  	[dreg:$0x0] =	wrdreg $0x60  }
0xaf: {  	[dreg:$0x2] =	wrdreg s24  }
0xb0: {  	[dreg:$0x3] =	wrdreg s2  }
0xb1: {  	[dreg:$0x4] =	wrdreg s18  }
0xb2: {  	[dreg:$0x5] =	wrdreg $0x9  }
0xb3: {  	_ =	task.clear_ibuf [dreg:s8], $0x6FFFF;
	_ =	strace $0x90000046  }
0xb4: {  	s29 =	simm.s32 $0x9;
	_ =	strace $0x80000048  }
0xb5: {  	_ =	swait.ge [sflag:s29], $0x1  }
0xb6: {  	[sflag:s29] =	ssyncadd.s32 $0xFFFFFFFF  }
0xb7: {  	_ =	strace $0x90000048  }
0xb8: {  	_ =	sfence  }
0xb9: {  	s30 =	sld [smem:$0x0];
	_ =	sdelay $0x2  }
0xba: {  	s31 =	sshll.u32 s1, $0xD;
	s1 =	sshrl.u32 s1, $0x2  }
0xbb: {  	s3 =	sand.u32 $0x4000, s31;
	s1 =	sadd.s32 s1, s30  }
0xbc: {  	s0 =	sor.u32 s3, s0;
	s1 =	sshll.u32 s1, $0x11  }
0xbd: {  	s0 =	sor.u32 s1, s0  }
0xbe: {  	s0 =	sadd.s32 $0x8F2B, s0  }
0xbf: {  	[sflag:s0] =	ssyncadd.remote.s32 $0x1  }
0xc0: {  	_ =	sfence.sel $0xFFFF  }
0xc1: {  	[dreg:$0x0] =	wrdreg $0xFFFFFFFF;
	(pc) =	sbr.abs _section_cstart, $3  }
0xc2: {  	[dreg:$0x1] =	wrdreg $0xFFFFFFFF  }
0xc3: {  	_ =	task.clear_ibuf [dreg:s8], $0x2FFFF;
	_ =	strace $0x9FFFFFFF  }
0xc4: {  	(tm) =	ssettm $0x7FFFFFFF  }
0xc5: {  	_ =	shalt  }
tec
execute0_lowered:
.L_overlay_start_1:
0x0: {  	(tag) =	ssettag $0x1  }
0x1: {  	s5 =	rddreg [dreg:$0x0]  }
0x2: {  	s6 =	rddreg [dreg:$0x1]  }
0x3: {  	s2 =	rddreg [dreg:$0x2]  }
0x4: {  	s0 =	rddreg [dreg:$0x3]  }
0x5: {  	s3 =	simm.s32 $0x0;
	s4 =	srdreg.scid;
	s1 =	stileid.u32  }
0x6: {  	[smem:$0x7FF] =	sst s3;
	s4 =	sand.u32 $0x1, s4;
	s7 =	sshll.u32 s1, $0x1  }
0x7: {  	s12 =	simm.f32 $1.000000000e+00;
	_ =	strace $0x80000047;
	s11 =	sor.u32 s4, s7  }
0x8: {  	s31 =	ssub.s32 $0x2, s4;
	s4 =	sadd.s32 $0x1000, s5;
	s8 =	sshll.u32 s11, $0x4  }
0x9: {  	s9 =	sshrl.u32 s31, $0x1;
	s10 =	smul.u32 $0xC80, s11;
	p0 =	seq.s32 s11, $0x0  }
0xa: {  	s8 =	sadd.s32 s8, s5;
	s7 =	ssub.s32 s31, s9;
	s12 =	simm.s32 @!p0 $0x0  }
0xb: {  	s9 =	simm.s32 $0x6400;
	p0 =	sne.s32 s11, $0x0;
	s11 =	simm.s32 $0xC800  }
0xc: {  	v1 =	vimm.f32 $1.000000000e+00;
	vm0 =	vcmask $0x3B00;
	s5 =	sadd.s32 s6, s10;
	s6 =	sadd.s32 $0x1FA00, s8;
	s7 =	smax.u32 s7, $0x1  }
0xd: {  	v1 =	vsel vm0, $0x0, v1;
	s8 =	simm.s32 $0x2;
	s10 =	simm.s32 $0x1;
	v0 =	vmov s12;
	s12 =	simm.s32 $0x0  }
.LBB2_1:
0xe: {  	[tilespmem:s3], [sflag:$0x2] =	stream.linear.gather [hbm4b:s5+s3], $0x6400, $0x38;
	[tilespmem:$0xC880] =	vst v63  }
0xf: {  	_ =	swait.ge [sflag:s8], $0x6400  }
0x10: {  	[sflag:s8] =	ssyncset.done $0x0  }
0x11: {  	[sflag:s8] =	ssyncadd.s32 $0xFFFF9C00  }
0x12: {  	[tilespmem:s9], [sflag:$0x1] =	stream.indirect.gather [hbm4b:s4+s9], $0x1, s3, s9, $0xb8;
	[tilespmem:$0xC880] =	vst v63  }
0x13: {  	_ =	swait.ge [sflag:s10], $0x6400  }
0x14: {  	[sflag:s10] =	ssyncset.done $0x0  }
0x15: {  	s14 =	simm.s32 $0x6440;
	[sflag:s10] =	ssyncadd.s32 $0xFFFF9C00  }
0x16: {  	v2 =	vld [tilespmem:s14+$0xFFFFFFC0]  }
0x17: {  	v3 =	vld [tilespmem:s14+$0xFFFFFFD0];
	_ =	sdelay $0x1  }
0x18: {  	v4 =	vld [tilespmem:s14+$0xFFFFFFE0]  }
0x19: {  	v5 =	vld [tilespmem:s14+$0xFFFFFFF0]  }
0x1a: {  	s13 =	simm.s32 $0x64C0;
	v6 =	vld [tilespmem:s14+$0x0]  }
0x1b: {  	v8 =	vld [tilespmem:s13+$0xFFFFFFC0];
	v2 =	vadd.f32 v3, v2  }
0x1c: {  	v9 =	vld [tilespmem:s13+$0xFFFFFFD0]  }
0x1d: {  	v10 =	vld [tilespmem:s14+$0x10];
	v2 =	vadd.f32 v4, v2  }
0x1e: {  	v11 =	vld [tilespmem:s14+$0x20]  }
0x1f: {  	v12 =	vld [tilespmem:s13+$0xFFFFFFE0];
	v2 =	vadd.f32 v5, v2  }
0x20: {  	v7 =	vld [tilespmem:s13+$0xFFFFFFF0]  }
0x21: {  	v3 =	vld [tilespmem:s14+$0x30];
	v2 =	vadd.f32 v6, v2  }
0x22: {  	s16 =	simm.s32 $0x6540;
	v4 =	vld [tilespmem:s13+$0x0]  }
0x23: {  	v5 =	vld [tilespmem:s16+$0xFFFFFFC0];
	v6 =	vadd.f32 v9, v8;
	v9 =	vadd.f32 v10, v2  }
0x24: {  	s15 =	simm.s32 $0x1;
	v8 =	vld [tilespmem:s16+$0xFFFFFFD0]  }
0x25: {  	s17 =	simm.s32 $0x3;
	p2 =	por $0x0, $0x0;
	s14 =	simm.s32 $0x2;
	v2 =	vimm.f32 $0.0e+00;
	v10 =	vadd.f32 v12, v6;
	v6 =	vld [tilespmem:s13+$0x10];
	v9 =	vadd.f32 v11, v9  }
.LBB2_2:
0x26: {  	s18 =	simm.f32 $1.000000000e+00  }
0x27: {  	p1 =	sne.s32 s17, $0xC7;
	v7 =	vadd.f32 v7, v10;
	v11 =	vld [tilespmem:s13+$0x20];
	v9 =	vadd.f32 v3, v9;
	s19 =	smov.u32 s14;
	s18 =	simm.s32 @!p2 $0x0  }
0x28: {  	s14 =	smov.u32 s17;
	v10 =	vld [tilespmem:s16+$0xFFFFFFE0];
	s18 =	simm.s32 @p0 $0x3F800000  }
0x29: {  	v12 =	vadd.f32 v4, v7;
	v3 =	vld [tilespmem:s13+$0x30];
	v9 =	vmul.f32 s18, v9;
	s13 =	smov.u32 s16  }
.Ltmp0:
0x2a: {  	v13 =	vadd.f32 v8, v5;
	v7 =	vld [tilespmem:s16+$0xFFFFFFF0];
	(pc) =	sbr.rel @p1 .LBB2_2-.Ltmp0, $4  }
0x2b: {  	s16 =	sadd.s32 $0x80, s16;
	v6 =	vadd.f32 v6, v12;
	v4 =	vld [tilespmem:s13+$0x0];
	v2 =	vadd.f32 v9, v2  }
0x2c: {  	v5 =	vld [tilespmem:s16+$0xFFFFFFC0]  }
0x2d: {  	v9 =	vadd.f32 v11, v6;
	v8 =	vld [tilespmem:s16+$0xFFFFFFD0];
	v10 =	vadd.f32 v10, v13  }
0x2e: {  	s17 =	sadd.s32 $0x1, s17;
	p2 =	sgt.u32 s15, $0x7F;
	s15 =	smov.u32 s19;
	v6 =	vld [tilespmem:s13+$0x10]  }
0x2f: {  	v11 =	vld [tilespmem:s16+$0xFFFFFFE0];
	_ =	sdelay $0x1  }
0x30: {  	v12 =	vld [tilespmem:s16+$0xFFFFFFF0]  }
0x31: {  	v5 =	vadd.f32 v8, v5  }
0x32: {  	v55 =	vld [tilespmem:s16+$0x0]  }
0x33: {  	v7 =	vadd.f32 v7, v10;
	v56 =	vld [tilespmem:s13+$0x20];
	v5 =	vadd.f32 v11, v5  }
0x34: {  	v57 =	vld [tilespmem:s16+$0x10]  }
0x35: {  	v58 =	vld [tilespmem:s13+$0x30];
	v4 =	vadd.f32 v4, v7;
	v5 =	vadd.f32 v12, v5  }
0x36: {  	v59 =	vld [tilespmem:s16+$0x20]  }
0x37: {  	v4 =	vadd.f32 v6, v4;
	v5 =	vadd.f32 v55, v5  }
0x38: {  	v3 =	vadd.f32 v3, v9;
	s13 =	simm.f32 $1.000000000e+00;
	v60 =	vld [tilespmem:s16+$0x30]  }
0x39: {  	s13 =	simm.s32 @!p2 $0x0;
	v4 =	vadd.f32 v56, v4;
	v5 =	vadd.f32 v57, v5  }
0x3a: {  	p1 =	sgt.u32 s15, $0x7F;
	s15 =	simm.f32 $1.000000000e+00;
	v61 =	vld [tilespmem:$0xA3F0];
	s13 =	simm.s32 @p0 $0x3F800000  }
0x3b: {  	s15 =	simm.s32 @!p1 $0x0;
	v3 =	vmul.f32 s13, v3;
	v4 =	vadd.f32 v58, v4;
	v5 =	vadd.f32 v59, v5  }
0x3c: {  	p1 =	sgt.u32 s14, $0x7F;
	s15 =	simm.s32 @p0 $0x3F800000;
	s13 =	simm.f32 $1.000000000e+00  }
0x3d: {  	s13 =	simm.s32 @!p1 $0x0;
	v2 =	vadd.f32 v3, v2;
	v3 =	vmul.f32 s15, v4;
	v62 =	vadd.f32 v60, v5  }
0x3e: {  	s13 =	simm.s32 @p0 $0x3F800000  }
0x3f: {  	v63 =	vmul.f32 v1, v61;
	v2 =	vadd.f32 v3, v2;
	v3 =	vmul.f32 s13, v62;
	_ =	sdelay $0x1  }
0x40: {  	v2 =	vadd.f32 v3, v2;
	v3 =	vmul.f32 v63, v0;
	_ =	sdelay $0x1  }
0x41: {  	v2 =	vadd.f32 v3, v2;
	_ =	sdelay $0x1  }
0x42: {  	[tilespmem:$0xC800] =	vst v2  }
0x43: {  	[hbm4b:s6+s3] =	stream.linear.scatter [tilespmem:s11], [sflag:$0x2], $0x80, $0x38;
	[tilespmem:$0xC880] =	vst v63  }
0x44: {  	_ =	swait.ge [sflag:s8], $0x80  }
0x45: {  	s12 =	sadd.s32 $0x1, s12;
	s14 =	simm.s32 @!p0 $0x6400;
	[sflag:s8] =	ssyncset.done $0x0  }
0x46: {  	p1 =	sne.s32 s12, s7;
	s13 =	simm.s32 @!p0 $0x0;
	[sflag:s8] =	ssyncadd.s32 $0xFFFFFF80  }
0x47: {  	[hbm4b:s2+s13] =	stream.linear.scatter @!p0 [tilespmem:s14], [sflag:$0x2], $0x4000, $0x38;
	[tilespmem:$0xC880] =	vst v63  }
.Ltmp1:
0x48: {  	_ = 	snop;
	(pc) =	sbr.rel @p1 .LBB2_1-.Ltmp1, $4  }
0x49: {  	s13 =	simm.s32 @!p0 $0x2  }
0x4a: {  	_ =	swait.ge @!p0 [sflag:s13], $0x4000  }
0x4b: {  	[sflag:s13] =	ssyncset.done @!p0 $0x0  }
0x4c: {  	[sflag:s13] =	ssyncadd.s32 @!p0 $0xFFFFC000  }
0x4d: {  	_ =	sfence.sel $0x180000  }
0x4e: {  	[bflag:$0x0] =	sbarrier.arrive $0xFFFF  }
0x4f: {  	p0 =	sne.s32 s1, $0x0;
	_ =	strace $0x90000047  }
0x50: {  	s0 =	sadd.s32 @!p0 $0x100000, s0;
	[bflag:$0x2] =	sbarrier.arrive $0xFFFF  }
0x51: {  	[sflag:s0] =	ssyncadd.tile.s32 @!p0 $0x1;
	_ =	shalt  }
.Lfunc_end2:
_tile_overlayer_lowered:
.L_overlay_start_2:
0x52: {  	(tag) =	ssettag $0x2  }
0x53: {  	s0 =	rddreg [dreg:$0x0];
	s2 =	stileid.u32  }
0x54: {  	s1 =	rddreg [dreg:$0x1];
	p0 =	sne.s32 s2, $0x0  }
0x55: {  	s3 =	rddreg [dreg:$0x2];
	[bflag:$0x3] =	sbarrier.arrive $0xFFFF;
	s2 =	simm.s32 @!p0 $0x1C02  }
0x56: {  	[timem:s3], [sflag:s2] =	dma.local @!p0 [hbm:s0], s1  }
0x57: {  	s0 =	simm.s32 @!p0 $0x2  }
0x58: {  	_ =	swait.ge @!p0 [sflag:s0], s1  }
0x59: {  	s1 =	ssub.s32 @!p0 $0x0, s1;
	[sflag:s0] =	ssyncset.done @!p0 $0x0  }
0x5a: {  	[sflag:s0] =	ssyncadd.s32 @!p0 s1  }
0x5b: {  	[bflag:$0x3] =	sbarrier.arrive $0xFFFF  }
0x5c: {  	_ =	shalt  }

</sc_bundles>
